<compile_context>
chip_gen: v7x
topology: tpu7x:2x2x1
jax: 0.10.2.dev20260603
libtpu: 0.0.44.dev20260713+nightly
codegen_flags: <defaults>
</compile_context>

<pallas_src>
import jax
import jax.numpy as jnp
from jax import lax
from jax.experimental import pallas as pl
from jax.experimental.pallas import tpu as pltpu
from jax.experimental.pallas import tpu_sc as plsc

B = 32
CLS = 100
D = 512
CTX_LEN = 12
POOL_G = 10
POOL_A = 100
SEQ = 77
N_CTX = 36
SUF = 40
NC_SUF = 64

NCORE = 2
NSUB = 16
NW = NCORE * NSUB
G_ROWS = B * CTX_LEN
A_ROWS = 2 * B * CTX_LEN
GW = 24
GPT = G_ROWS // GW
APT = A_ROWS // NW

CLS_BLK = 50
NCB = CLS // CLS_BLK


def _sc_gather(g2d_hbm, a2d_hbm, idxg_hbm, idxa_hbm, ctx_hbm,
               idxg_v, idxa_v, gat_g, gat_a, sem):
    cid = lax.axis_index("c")
    sid = lax.axis_index("s")
    w = sid * NCORE + cid

    g_off = pl.multiple_of(GPT * w, 8)
    a_off = pl.multiple_of(APT * w, 8)
    a_dst = pl.multiple_of(G_ROWS + APT * w, 8)

    @pl.when(w < GW)
    def _gather_global():
        pltpu.sync_copy(idxg_hbm.at[pl.ds(g_off, GPT)], idxg_v)
        pltpu.async_copy(g2d_hbm.at[idxg_v], gat_g, sem).wait()
        pltpu.sync_copy(gat_g, ctx_hbm.at[pl.ds(g_off, GPT)])

    pltpu.sync_copy(idxa_hbm.at[pl.ds(a_off, APT)], idxa_v)
    pltpu.async_copy(a2d_hbm.at[idxa_v], gat_a, sem).wait()
    pltpu.sync_copy(gat_a, ctx_hbm.at[pl.ds(a_dst, APT)])


def _prompt_kernel(ctx_ref, pref_ref, suf_ref, tok_ref,
                   out_p_ref, out_t_ref):
    cb = pl.program_id(0)
    b = pl.program_id(1)
    c0 = cb * CLS_BLK

    ctx = ctx_ref[b]
    full = jnp.concatenate([
        pref_ref[pl.ds(c0, CLS_BLK)],
        jnp.broadcast_to(ctx[None], (CLS_BLK, N_CTX, D)),
        suf_ref[pl.ds(c0, CLS_BLK)],
    ], axis=1)
    out_p_ref[...] = full
    out_t_ref[...] = tok_ref[pl.ds(c0, CLS_BLK)]


def _nc_kernel(g_ref, ncp_ref, ncs_ref, nct_ref, out_ncp_ref, out_nct_ref):
    out_ncp_ref[...] = jnp.concatenate([
        jnp.broadcast_to(ncp_ref[...], (POOL_G, 1, D)),
        g_ref[...],
        jnp.broadcast_to(ncs_ref[...], (POOL_G, NC_SUF, D)),
    ], axis=1)
    out_nct_ref[...] = jnp.broadcast_to(nct_ref[...], (POOL_G, SEQ))


@jax.jit
def _run(idx_g, idx_a, global_prompt, attribute_prompt,
         token_prefix, token_suffix, tokenized_prompts,
         nc_token_prefix, nc_token_suffix, nc_tokenized_prompts):
    idxg_rows = (idx_g[:, None] * CTX_LEN
                 + jnp.arange(CTX_LEN, dtype=jnp.int32)[None, :]).reshape(G_ROWS)
    idxa_rows = (idx_a[:, None] * CTX_LEN
                 + jnp.arange(CTX_LEN, dtype=jnp.int32)[None, :]).reshape(A_ROWS)

    sc_fn = pl.kernel(
        _sc_gather,
        out_type=jax.ShapeDtypeStruct((G_ROWS + A_ROWS, D), jnp.float32),
        mesh=plsc.VectorSubcoreMesh(core_axis_name="c", subcore_axis_name="s"),
        scratch_types=[
            pltpu.VMEM((GPT,), jnp.int32),
            pltpu.VMEM((APT,), jnp.int32),
            pltpu.VMEM((GPT, D), jnp.float32),
            pltpu.VMEM((APT, D), jnp.float32),
            pltpu.SemaphoreType.DMA,
        ],
    )
    ctx_all = sc_fn(global_prompt.reshape(POOL_G * CTX_LEN, D),
                    attribute_prompt.reshape(POOL_A * CTX_LEN, D),
                    idxg_rows, idxa_rows)

    main_fn = pl.pallas_call(
        _prompt_kernel,
        grid=(NCB, B),
        in_specs=[
            pl.BlockSpec((B, N_CTX, D), lambda cb, b: (0, 0, 0)),
            pl.BlockSpec((CLS, 1, D), lambda cb, b: (0, 0, 0)),
            pl.BlockSpec((CLS, SUF, D), lambda cb, b: (0, 0, 0)),
            pl.BlockSpec((CLS, 1, SEQ), lambda cb, b: (0, 0, 0)),
        ],
        out_specs=[
            pl.BlockSpec((CLS_BLK, SEQ, D), lambda cb, b: (b * NCB + cb, 0, 0)),
            pl.BlockSpec((CLS_BLK, 1, SEQ), lambda cb, b: (b * NCB + cb, 0, 0)),
        ],
        out_shape=[
            jax.ShapeDtypeStruct((B * CLS, SEQ, D), jnp.float32),
            jax.ShapeDtypeStruct((B * CLS, 1, SEQ), jnp.int32),
        ],
        compiler_params=pltpu.CompilerParams(
            dimension_semantics=("parallel", "parallel")),
    )
    prompts, tok3 = main_fn(ctx_all.reshape(B, N_CTX, D),
                            token_prefix, token_suffix,
                            tokenized_prompts.reshape(CLS, 1, SEQ))

    nc_fn = pl.pallas_call(
        _nc_kernel,
        out_shape=[
            jax.ShapeDtypeStruct((POOL_G, SEQ, D), jnp.float32),
            jax.ShapeDtypeStruct((POOL_G, SEQ), jnp.int32),
        ],
    )
    nc_prompts, nc_tok = nc_fn(global_prompt, nc_token_prefix,
                               nc_token_suffix, nc_tokenized_prompts)

    return prompts, tok3.reshape(B * CLS, SEQ), nc_prompts, nc_tok


def kernel(indices_g, indices_a, global_prompt, attribute_prompt,
           token_prefix, token_suffix, tokenized_prompts,
           nc_token_prefix, nc_token_suffix, nc_tokenized_prompts):
    idx_g = indices_g.astype(jnp.int32)
    idx_a = indices_a.astype(jnp.int32)
    return _run(idx_g, idx_a, global_prompt, attribute_prompt,
                token_prefix, token_suffix, tokenized_prompts,
                nc_token_prefix, nc_token_suffix, nc_tokenized_prompts)

# --- scband reference (transcript-rebuilt; emitter-appended) ---
"""Pipeline reference for scband-prompt-learner-1391569404525 (READ-ONLY COPY).

The authoritative reference and input builder live on the scoring server;
editing this copy changes nothing except your own understanding.
"""

import jax, jax.numpy as jnp
import numpy as np

# CLIP-style dims: ViT-B/16 text encoder width 512, context length 77
B = 32            # batch
CLS = 100         # number of class names
D = 512           # ctx_dim (clip ln_final width)
CTX_LEN = 12      # learnable ctx tokens per prompt
TEXT_PROMPT = 3   # args.text_prompt: 1 global + 2 attribute prompts per sample
POOL_G = 10       # global prompt pool size
POOL_A = 100      # attribute prompt pool size
SEQ = 77          # CLIP tokenized length
N_CTX = CTX_LEN * TEXT_PROMPT          # 36 ctx tokens total
SUF = SEQ - 1 - N_CTX                  # 40 suffix tokens
NC_SUF = SEQ - 1 - CTX_LEN             # 64 nc suffix tokens
VOCAB = 49408


def setup_inputs(seed: int = 0) -> dict:
    key = jax.random.key(seed)
    ks = jax.random.split(key, 10)
    return {
        'indices_g': jax.random.randint(ks[0], (B,), 0, POOL_G, dtype=jnp.int64 if jax.config.read('jax_enable_x64') else jnp.int32),
        'indices_a': jax.random.randint(ks[1], (2 * B,), 0, POOL_A, dtype=jnp.int64 if jax.config.read('jax_enable_x64') else jnp.int32),
        'global_prompt': jax.random.normal(ks[2], (POOL_G, CTX_LEN, D), dtype=jnp.float32) * 0.02,
        'attribute_prompt': jax.random.normal(ks[3], (POOL_A, CTX_LEN, D), dtype=jnp.float32) * 0.02,
        'token_prefix': jax.random.normal(ks[4], (CLS, 1, D), dtype=jnp.float32) * 0.02,
        'token_suffix': jax.random.normal(ks[5], (CLS, SUF, D), dtype=jnp.float32) * 0.02,
        'tokenized_prompts': jax.random.randint(ks[6], (CLS, SEQ), 0, VOCAB, dtype=jnp.int32),
        'nc_token_prefix': jax.random.normal(ks[7], (1, 1, D), dtype=jnp.float32) * 0.02,
        'nc_token_suffix': jax.random.normal(ks[8], (1, NC_SUF, D), dtype=jnp.float32) * 0.02,
        'nc_tokenized_prompts': jax.random.randint(ks[9], (1, SEQ), 0, VOCAB, dtype=jnp.int32),
    }


def reference(indices_g, indices_a, global_prompt, attribute_prompt,
              token_prefix, token_suffix, tokenized_prompts,
              nc_token_prefix, nc_token_suffix, nc_tokenized_prompts):
    batch = indices_g.shape[0]
    cls_num = token_prefix.shape[0]
    d = global_prompt.shape[-1]

    # prompt-pool gathers (embedding lookups)
    prom_global = jnp.take(global_prompt, indices_g, axis=0)      # [B, ctx_len, d]
    prom_attri = jnp.take(attribute_prompt, indices_a, axis=0)    # [2B, ctx_len, d]
    ctx = jnp.concatenate([prom_global, prom_attri], axis=0).reshape(batch, -1, d)  # [B, 36, d]

    # prompt_pos == 2 path
    prefix = jnp.tile(token_prefix[None, :, :, :], (batch, 1, 1, 1))   # [B, CLS, 1, d]
    suffix = jnp.tile(token_suffix[None, :, :, :], (batch, 1, 1, 1))   # [B, CLS, SUF, d]
    ctx_r = jnp.tile(ctx[:, None, :, :], (1, cls_num, 1, 1))           # [B, CLS, 36, d]
    prompts = jnp.concatenate([prefix, ctx_r, suffix], axis=2)         # [B, CLS, 77, d]
    prompts = prompts.reshape(batch * cls_num, -1, d)

    tok = tokenized_prompts.reshape(cls_num, -1)
    tok = jnp.tile(tok[None, :, :], (batch, 1, 1)).reshape(batch * cls_num, -1)

    # only_prefix()
    prompt_size = global_prompt.shape[0]
    nc_tok = jnp.tile(nc_tokenized_prompts, (prompt_size, 1))
    nc_prefix = jnp.tile(nc_token_prefix, (prompt_size, 1, 1))
    nc_suffix = jnp.tile(nc_token_suffix, (prompt_size, 1, 1))
    nc_prompts = jnp.concatenate([nc_prefix, global_prompt, nc_suffix], axis=1)  # [POOL_G, 77, d]

    return (prompts, tok, nc_prompts, nc_tok)

if __name__ == "__main__":
    import jax
    _d = setup_inputs()
    print(jax.jit(kernel)(*tuple(_d.values())))

</pallas_src>

<mosaic_0001>
#map = affine_map<(d0, d1) -> (0, 0)>
#map1 = affine_map<(d0, d1) -> (0)>
module attributes {stable_mosaic.version = 14 : i64} {
  func.func @_sc_gather(%arg0: i32, %arg1: i32, %arg2: memref<120x512xf32, #tpu.memory_space<hbm>>, %arg3: memref<1200x512xf32, #tpu.memory_space<hbm>>, %arg4: memref<384xi32, #tpu.memory_space<hbm>>, %arg5: memref<768xi32, #tpu.memory_space<hbm>>, %arg6: memref<1152x512xf32, #tpu.memory_space<hbm>>, %arg7: memref<16xi32, #tpu.memory_space<vmem>>, %arg8: memref<24xi32, #tpu.memory_space<vmem>>, %arg9: memref<16x512xf32, #tpu.memory_space<vmem>>, %arg10: memref<24x512xf32, #tpu.memory_space<vmem>>, %arg11: memref<!tpu.dma_semaphore, #tpu.memory_space<semaphore_mem>>) attributes {dimension_semantics = [#tpu.dimension_semantics<core_parallel>, #tpu.dimension_semantics<subcore_parallel>], iteration_bounds = array<i64: 2, 16>, scalar_prefetch = 0 : i64, scratch_operands = 5 : i64, tpu.core_type = #tpu.core_type<sc_vector_subcore>, window_params = [{transform_indices = #map}, {transform_indices = #map}, {transform_indices = #map1}, {transform_indices = #map1}, {transform_indices = #map}]} {
    %mul3A = arith.constant 2 : i32
    %mul3A_0 = arith.muli %arg1, %mul3A : i32
    %add3A = arith.addi %mul3A_0, %arg0 : i32
    %mul3A_1 = arith.constant 16 : i32
    %mul3A_2 = arith.muli %mul3A_1, %add3A : i32
    %multiple_of3A = tpu.assume_multiple %mul3A_2, 8 : i32
    %mul3A_3 = arith.constant 24 : i32
    %mul3A_4 = arith.muli %mul3A_3, %add3A : i32
    %multiple_of3A_5 = tpu.assume_multiple %mul3A_4, 8 : i32
    %mul3A_6 = arith.constant 24 : i32
    %mul3A_7 = arith.muli %mul3A_6, %add3A : i32
    %add3A_8 = arith.constant 384 : i32
    %add3A_9 = arith.addi %add3A_8, %mul3A_7 : i32
    %multiple_of3A_10 = tpu.assume_multiple %add3A_9, 8 : i32
    %lt3A = arith.constant 24 : i32
    %lt3A_11 = arith.cmpi slt, %add3A, %lt3A : i32
    %convert_element_type3A = arith.extui %lt3A_11 : i1 to i32
    %cond3A = arith.constant 0 : i32
    %cond3A_12 = arith.cmpi ne, %convert_element_type3A, %cond3A : i32
    scf.if %cond3A_12 {
      "tpu.region"() ({
        %run_scoped3A = tpu.sem_alloc : memref<!tpu.dma_semaphore, #tpu.memory_space<semaphore_mem>>
        %dma_start3A_23 = tpu.memref_slice %arg4[%multiple_of3A] : memref<384xi32, #tpu.memory_space<hbm>> -> memref<16xi32, #tpu.memory_space<hbm>>
        %dma_start3A_24 = tpu.memref_slice %arg4[%multiple_of3A] : memref<384xi32, #tpu.memory_space<hbm>> -> memref<16xi32, #tpu.memory_space<hbm>>
        tpu.enqueue_dma source(%dma_start3A_24 : memref<16xi32, #tpu.memory_space<hbm>>) target(%arg7 : memref<16xi32, #tpu.memory_space<vmem>>) target_semaphore(%run_scoped3A : memref<!tpu.dma_semaphore, #tpu.memory_space<semaphore_mem>>)
        %dma_wait3A_25 = tpu.memref_slice %arg4[%multiple_of3A] : memref<384xi32, #tpu.memory_space<hbm>> -> memref<16xi32, #tpu.memory_space<hbm>>
        %dma_wait3A_26 = tpu.memref_slice %arg4[%multiple_of3A] : memref<384xi32, #tpu.memory_space<hbm>> -> memref<16xi32, #tpu.memory_space<hbm>>
        tpu.wait_dma2 semaphore(%run_scoped3A : memref<!tpu.dma_semaphore, #tpu.memory_space<semaphore_mem>>) src(%dma_wait3A_26 : memref<16xi32, #tpu.memory_space<hbm>>) dst(%arg7 : memref<16xi32, #tpu.memory_space<vmem>>)
        tpu.yield
      }) : () -> ()
      %dma_start3A_17 = arith.constant 0 : i32
      %dma_start3A_18 = arith.constant 0 : i32
      %dma_start3A_19 = tpu.memref_slice %arg2[%dma_start3A_17, %dma_start3A_18] : memref<120x512xf32, #tpu.memory_space<hbm>> -> memref<120x512xf32, #tpu.memory_space<hbm>>
      tpu.enqueue_indirect_dma source(%dma_start3A_19 : memref<120x512xf32, #tpu.memory_space<hbm>>) target(%arg9 : memref<16x512xf32, #tpu.memory_space<vmem>>) offsets(%arg7 : memref<16xi32, #tpu.memory_space<vmem>>) semaphore(%arg11 : memref<!tpu.dma_semaphore, #tpu.memory_space<semaphore_mem>>)
      %dma_wait3A_20 = arith.constant 0 : i32
      %dma_wait3A_21 = arith.constant 0 : i32
      %dma_wait3A_22 = tpu.memref_slice %arg2[%dma_wait3A_20, %dma_wait3A_21] : memref<120x512xf32, #tpu.memory_space<hbm>> -> memref<120x512xf32, #tpu.memory_space<hbm>>
      tpu.wait_indirect_dma semaphore(%arg11 : memref<!tpu.dma_semaphore, #tpu.memory_space<semaphore_mem>>) src(%dma_wait3A_22 : memref<120x512xf32, #tpu.memory_space<hbm>>) dst(%arg9 : memref<16x512xf32, #tpu.memory_space<vmem>>)
      "tpu.region"() ({
        %run_scoped3A = tpu.sem_alloc : memref<!tpu.dma_semaphore, #tpu.memory_space<semaphore_mem>>
        %dma_start3A_23 = arith.constant 0 : i32
        %dma_start3A_24 = tpu.memref_slice %arg6[%multiple_of3A, %dma_start3A_23] : memref<1152x512xf32, #tpu.memory_space<hbm>> -> memref<16x512xf32, #tpu.memory_space<hbm>>
        %dma_start3A_25 = arith.constant 0 : i32
        %dma_start3A_26 = tpu.memref_slice %arg6[%multiple_of3A, %dma_start3A_25] : memref<1152x512xf32, #tpu.memory_space<hbm>> -> memref<16x512xf32, #tpu.memory_space<hbm>>
        tpu.enqueue_dma source(%arg9 : memref<16x512xf32, #tpu.memory_space<vmem>>) target(%dma_start3A_26 : memref<16x512xf32, #tpu.memory_space<hbm>>) target_semaphore(%run_scoped3A : memref<!tpu.dma_semaphore, #tpu.memory_space<semaphore_mem>>)
        %dma_wait3A_27 = arith.constant 0 : i32
        %dma_wait3A_28 = tpu.memref_slice %arg6[%multiple_of3A, %dma_wait3A_27] : memref<1152x512xf32, #tpu.memory_space<hbm>> -> memref<16x512xf32, #tpu.memory_space<hbm>>
        %dma_wait3A_29 = arith.constant 0 : i32
        %dma_wait3A_30 = tpu.memref_slice %arg6[%multiple_of3A, %dma_wait3A_29] : memref<1152x512xf32, #tpu.memory_space<hbm>> -> memref<16x512xf32, #tpu.memory_space<hbm>>
        tpu.wait_dma2 semaphore(%run_scoped3A : memref<!tpu.dma_semaphore, #tpu.memory_space<semaphore_mem>>) src(%arg9 : memref<16x512xf32, #tpu.memory_space<vmem>>) dst(%dma_wait3A_30 : memref<16x512xf32, #tpu.memory_space<hbm>>)
        tpu.yield
      }) : () -> ()
    } else {
    }
    "tpu.region"() ({
      %run_scoped3A = tpu.sem_alloc : memref<!tpu.dma_semaphore, #tpu.memory_space<semaphore_mem>>
      %dma_start3A_17 = tpu.memref_slice %arg5[%multiple_of3A_5] : memref<768xi32, #tpu.memory_space<hbm>> -> memref<24xi32, #tpu.memory_space<hbm>>
      %dma_start3A_18 = tpu.memref_slice %arg5[%multiple_of3A_5] : memref<768xi32, #tpu.memory_space<hbm>> -> memref<24xi32, #tpu.memory_space<hbm>>
      tpu.enqueue_dma source(%dma_start3A_18 : memref<24xi32, #tpu.memory_space<hbm>>) target(%arg8 : memref<24xi32, #tpu.memory_space<vmem>>) target_semaphore(%run_scoped3A : memref<!tpu.dma_semaphore, #tpu.memory_space<semaphore_mem>>)
      %dma_wait3A_19 = tpu.memref_slice %arg5[%multiple_of3A_5] : memref<768xi32, #tpu.memory_space<hbm>> -> memref<24xi32, #tpu.memory_space<hbm>>
      %dma_wait3A_20 = tpu.memref_slice %arg5[%multiple_of3A_5] : memref<768xi32, #tpu.memory_space<hbm>> -> memref<24xi32, #tpu.memory_space<hbm>>
      tpu.wait_dma2 semaphore(%run_scoped3A : memref<!tpu.dma_semaphore, #tpu.memory_space<semaphore_mem>>) src(%dma_wait3A_20 : memref<24xi32, #tpu.memory_space<hbm>>) dst(%arg8 : memref<24xi32, #tpu.memory_space<vmem>>)
      tpu.yield
    }) : () -> ()
    %dma_start3A = arith.constant 0 : i32
    %dma_start3A_13 = arith.constant 0 : i32
    %dma_start3A_14 = tpu.memref_slice %arg3[%dma_start3A, %dma_start3A_13] : memref<1200x512xf32, #tpu.memory_space<hbm>> -> memref<1200x512xf32, #tpu.memory_space<hbm>>
    tpu.enqueue_indirect_dma source(%dma_start3A_14 : memref<1200x512xf32, #tpu.memory_space<hbm>>) target(%arg10 : memref<24x512xf32, #tpu.memory_space<vmem>>) offsets(%arg8 : memref<24xi32, #tpu.memory_space<vmem>>) semaphore(%arg11 : memref<!tpu.dma_semaphore, #tpu.memory_space<semaphore_mem>>)
    %dma_wait3A = arith.constant 0 : i32
    %dma_wait3A_15 = arith.constant 0 : i32
    %dma_wait3A_16 = tpu.memref_slice %arg3[%dma_wait3A, %dma_wait3A_15] : memref<1200x512xf32, #tpu.memory_space<hbm>> -> memref<1200x512xf32, #tpu.memory_space<hbm>>
    tpu.wait_indirect_dma semaphore(%arg11 : memref<!tpu.dma_semaphore, #tpu.memory_space<semaphore_mem>>) src(%dma_wait3A_16 : memref<1200x512xf32, #tpu.memory_space<hbm>>) dst(%arg10 : memref<24x512xf32, #tpu.memory_space<vmem>>)
    "tpu.region"() ({
      %run_scoped3A = tpu.sem_alloc : memref<!tpu.dma_semaphore, #tpu.memory_space<semaphore_mem>>
      %dma_start3A_17 = arith.constant 0 : i32
      %dma_start3A_18 = tpu.memref_slice %arg6[%multiple_of3A_10, %dma_start3A_17] : memref<1152x512xf32, #tpu.memory_space<hbm>> -> memref<24x512xf32, #tpu.memory_space<hbm>>
      %dma_start3A_19 = arith.constant 0 : i32
      %dma_start3A_20 = tpu.memref_slice %arg6[%multiple_of3A_10, %dma_start3A_19] : memref<1152x512xf32, #tpu.memory_space<hbm>> -> memref<24x512xf32, #tpu.memory_space<hbm>>
      tpu.enqueue_dma source(%arg10 : memref<24x512xf32, #tpu.memory_space<vmem>>) target(%dma_start3A_20 : memref<24x512xf32, #tpu.memory_space<hbm>>) target_semaphore(%run_scoped3A : memref<!tpu.dma_semaphore, #tpu.memory_space<semaphore_mem>>)
      %dma_wait3A_21 = arith.constant 0 : i32
      %dma_wait3A_22 = tpu.memref_slice %arg6[%multiple_of3A_10, %dma_wait3A_21] : memref<1152x512xf32, #tpu.memory_space<hbm>> -> memref<24x512xf32, #tpu.memory_space<hbm>>
      %dma_wait3A_23 = arith.constant 0 : i32
      %dma_wait3A_24 = tpu.memref_slice %arg6[%multiple_of3A_10, %dma_wait3A_23] : memref<1152x512xf32, #tpu.memory_space<hbm>> -> memref<24x512xf32, #tpu.memory_space<hbm>>
      tpu.wait_dma2 semaphore(%run_scoped3A : memref<!tpu.dma_semaphore, #tpu.memory_space<semaphore_mem>>) src(%arg10 : memref<24x512xf32, #tpu.memory_space<vmem>>) dst(%dma_wait3A_24 : memref<24x512xf32, #tpu.memory_space<hbm>>)
      tpu.yield
    }) : () -> ()
    return
  }
}

module attributes {stable_mosaic.version = 14 : i64} {
  func.func @_nc_kernel(%arg0: memref<10x12x512xf32, #tpu.memory_space<vmem>>, %arg1: memref<1x1x512xf32, #tpu.memory_space<vmem>>, %arg2: memref<1x64x512xf32, #tpu.memory_space<vmem>>, %arg3: memref<1x77xi32, #tpu.memory_space<vmem>>, %arg4: memref<10x77x512xf32, #tpu.memory_space<vmem>>, %arg5: memref<10x77xi32, #tpu.memory_space<vmem>>) attributes {dimension_semantics = [], scalar_prefetch = 0 : i64, scratch_operands = 0 : i64, tpu.core_type = #tpu.core_type<tc>} {
    %get3A = arith.constant 0 : index
    %get3A_0 = arith.constant 0 : index
    %get3A_1 = arith.constant 0 : index
    %get3A_2 = vector.load %arg1[%get3A, %get3A_0, %get3A_1] : memref<1x1x512xf32, #tpu.memory_space<vmem>>, vector<1x1x512xf32>
    %broadcast_in_dim3A = vector.shape_cast %get3A_2 : vector<1x1x512xf32> to vector<1x1x512xf32>
    %broadcast_in_dim3A_3 = vector.broadcast %broadcast_in_dim3A : vector<1x1x512xf32> to vector<10x1x512xf32>
    %get3A_4 = arith.constant 0 : index
    %get3A_5 = arith.constant 0 : index
    %get3A_6 = arith.constant 0 : index
    %get3A_7 = vector.load %arg0[%get3A_4, %get3A_5, %get3A_6] : memref<10x12x512xf32, #tpu.memory_space<vmem>>, vector<10x12x512xf32>
    %get3A_8 = arith.constant 0 : index
    %get3A_9 = arith.constant 0 : index
    %get3A_10 = arith.constant 0 : index
    %get3A_11 = vector.load %arg2[%get3A_8, %get3A_9, %get3A_10] : memref<1x64x512xf32, #tpu.memory_space<vmem>>, vector<1x64x512xf32>
    %broadcast_in_dim3A_12 = vector.shape_cast %get3A_11 : vector<1x64x512xf32> to vector<1x64x512xf32>
    %broadcast_in_dim3A_13 = vector.broadcast %broadcast_in_dim3A_12 : vector<1x64x512xf32> to vector<10x64x512xf32>
    %concatenate3A = tpu.concatenate %broadcast_in_dim3A_3, %get3A_7, %broadcast_in_dim3A_13 in 1 : vector<10x1x512xf32>, vector<10x12x512xf32>, vector<10x64x512xf32> -> vector<10x77x512xf32>
    %swap3A = arith.constant 0 : index
    %swap3A_14 = arith.constant 0 : index
    %swap3A_15 = arith.constant 0 : index
    %swap3A_16 = vector.load %arg4[%swap3A, %swap3A_14, %swap3A_15] : memref<10x77x512xf32, #tpu.memory_space<vmem>>, vector<10x77x512xf32>
    tpu.vector_store %arg4[%swap3A, %swap3A_14, %swap3A_15], %concatenate3A {strides = array<i32>} : memref<10x77x512xf32, #tpu.memory_space<vmem>>, vector<10x77x512xf32>,
    %get3A_17 = arith.constant 0 : index
    %get3A_18 = arith.constant 0 : index
    %get3A_19 = vector.load %arg3[%get3A_17, %get3A_18] : memref<1x77xi32, #tpu.memory_space<vmem>>, vector<1x77xi32>
    %broadcast_in_dim3A_20 = vector.shape_cast %get3A_19 : vector<1x77xi32> to vector<1x77xi32>
    %broadcast_in_dim3A_21 = vector.broadcast %broadcast_in_dim3A_20 : vector<1x77xi32> to vector<10x77xi32>
    %swap3A_22 = arith.constant 0 : index
    %swap3A_23 = arith.constant 0 : index
    %swap3A_24 = vector.load %arg5[%swap3A_22, %swap3A_23] : memref<10x77xi32, #tpu.memory_space<vmem>>, vector<10x77xi32>
    tpu.vector_store %arg5[%swap3A_22, %swap3A_23], %broadcast_in_dim3A_21 {strides = array<i32>} : memref<10x77xi32, #tpu.memory_space<vmem>>, vector<10x77xi32>,
    return
  }
}

module attributes {stable_mosaic.version = 14 : i64} {
  func.func @_prompt_kernel(%arg0: i32, %arg1: i32, %arg2: memref<32x36x512xf32, #tpu.memory_space<vmem>>, %arg3: memref<100x1x512xf32, #tpu.memory_space<vmem>>, %arg4: memref<100x40x512xf32, #tpu.memory_space<vmem>>, %arg5: memref<100x1x77xi32, #tpu.memory_space<vmem>>, %arg6: memref<50x77x512xf32, #tpu.memory_space<vmem>>, %arg7: memref<50x1x77xi32, #tpu.memory_space<vmem>>) attributes {dimension_semantics = [#tpu.dimension_semantics<parallel>, #tpu.dimension_semantics<parallel>], iteration_bounds = array<i64: 2, 32>, scalar_prefetch = 0 : i64, scratch_operands = 0 : i64, tpu.core_type = #tpu.core_type<tc>, window_params = [{pipeline_mode = #tpu.pipeline_mode<synchronous>, transform_indices = @transform_0, window_bounds = array<i64: 32, 36, 512>}, {pipeline_mode = #tpu.pipeline_mode<synchronous>, transform_indices = @transform_1, window_bounds = array<i64: 100, 1, 512>}, {pipeline_mode = #tpu.pipeline_mode<synchronous>, transform_indices = @transform_2, window_bounds = array<i64: 100, 40, 512>}, {pipeline_mode = #tpu.pipeline_mode<synchronous>, transform_indices = @transform_3, window_bounds = array<i64: 100, 1, 77>}, {transform_indices = @transform_4, window_bounds = array<i64: 50, 77, 512>}, {transform_indices = @transform_5, window_bounds = array<i64: 50, 1, 77>}]} {
    %mul3A = arith.constant 50 : i32
    %mul3A_0 = arith.muli %arg0, %mul3A : i32
    %get3A = arith.index_cast %arg1 : i32 to index
    %get3A_1 = arith.constant 0 : index
    %get3A_2 = arith.constant 0 : index
    %get3A_3 = vector.load %arg2[%get3A, %get3A_1, %get3A_2] : memref<32x36x512xf32, #tpu.memory_space<vmem>>, vector<1x36x512xf32>
    %get3A_4 = vector.shape_cast %get3A_3 : vector<1x36x512xf32> to vector<36x512xf32>
    %get3A_5 = arith.index_cast %mul3A_0 : i32 to index
    %get3A_6 = arith.constant 0 : index
    %get3A_7 = arith.constant 0 : index
    %get3A_8 = vector.load %arg3[%get3A_5, %get3A_6, %get3A_7] : memref<100x1x512xf32, #tpu.memory_space<vmem>>, vector<50x1x512xf32>
    %broadcast_in_dim3A = vector.shape_cast %get3A_4 : vector<36x512xf32> to vector<1x36x512xf32>
    %broadcast_in_dim3A_9 = vector.shape_cast %broadcast_in_dim3A : vector<1x36x512xf32> to vector<1x36x512xf32>
    %broadcast_in_dim3A_10 = vector.broadcast %broadcast_in_dim3A_9 : vector<1x36x512xf32> to vector<50x36x512xf32>
    %get3A_11 = arith.index_cast %mul3A_0 : i32 to index
    %get3A_12 = arith.constant 0 : index
    %get3A_13 = arith.constant 0 : index
    %get3A_14 = vector.load %arg4[%get3A_11, %get3A_12, %get3A_13] : memref<100x40x512xf32, #tpu.memory_space<vmem>>, vector<50x40x512xf32>
    %concatenate3A = tpu.concatenate %get3A_8, %broadcast_in_dim3A_10, %get3A_14 in 1 : vector<50x1x512xf32>, vector<50x36x512xf32>, vector<50x40x512xf32> -> vector<50x77x512xf32>
    %swap3A = arith.constant 0 : index
    %swap3A_15 = arith.constant 0 : index
    %swap3A_16 = arith.constant 0 : index
    %swap3A_17 = vector.load %arg6[%swap3A, %swap3A_15, %swap3A_16] : memref<50x77x512xf32, #tpu.memory_space<vmem>>, vector<50x77x512xf32>
    tpu.vector_store %arg6[%swap3A, %swap3A_15, %swap3A_16], %concatenate3A {strides = array<i32>} : memref<50x77x512xf32, #tpu.memory_space<vmem>>, vector<50x77x512xf32>,
    %get3A_18 = arith.index_cast %mul3A_0 : i32 to index
    %get3A_19 = arith.constant 0 : index
    %get3A_20 = arith.constant 0 : index
    %get3A_21 = vector.load %arg5[%get3A_18, %get3A_19, %get3A_20] : memref<100x1x77xi32, #tpu.memory_space<vmem>>, vector<50x1x77xi32>
    %swap3A_22 = arith.constant 0 : index
    %swap3A_23 = arith.constant 0 : index
    %swap3A_24 = arith.constant 0 : index
    %swap3A_25 = vector.load %arg7[%swap3A_22, %swap3A_23, %swap3A_24] : memref<50x1x77xi32, #tpu.memory_space<vmem>>, vector<50x1x77xi32>
    tpu.vector_store %arg7[%swap3A_22, %swap3A_23, %swap3A_24], %get3A_21 {strides = array<i32>} : memref<50x1x77xi32, #tpu.memory_space<vmem>>, vector<50x1x77xi32>,
    return
  }
  func.func @transform_0(%arg0: i32, %arg1: i32) -> (i32, i32, i32) {
    %c0_i32 = arith.constant 0 : i32
    %c0_i32_0 = arith.constant 0 : i32
    %c0_i32_1 = arith.constant 0 : i32
    %c0_i32_2 = arith.constant 0 : i32
    return %c0_i32, %c0_i32_0, %c0_i32_1 : i32, i32, i32
  }
  func.func @transform_1(%arg0: i32, %arg1: i32) -> (i32, i32, i32) {
    %c0_i32 = arith.constant 0 : i32
    %c0_i32_0 = arith.constant 0 : i32
    %c0_i32_1 = arith.constant 0 : i32
    %c0_i32_2 = arith.constant 0 : i32
    return %c0_i32, %c0_i32_0, %c0_i32_1 : i32, i32, i32
  }
  func.func @transform_2(%arg0: i32, %arg1: i32) -> (i32, i32, i32) {
    %c0_i32 = arith.constant 0 : i32
    %c0_i32_0 = arith.constant 0 : i32
    %c0_i32_1 = arith.constant 0 : i32
    %c0_i32_2 = arith.constant 0 : i32
    return %c0_i32, %c0_i32_0, %c0_i32_1 : i32, i32, i32
  }
  func.func @transform_3(%arg0: i32, %arg1: i32) -> (i32, i32, i32) {
    %c0_i32 = arith.constant 0 : i32
    %c0_i32_0 = arith.constant 0 : i32
    %c0_i32_1 = arith.constant 0 : i32
    %c0_i32_2 = arith.constant 0 : i32
    return %c0_i32, %c0_i32_0, %c0_i32_1 : i32, i32, i32
  }
  func.func @transform_4(%arg0: i32, %arg1: i32) -> (i32, i32, i32) {
    %mul3A = arith.constant 2 : i32
    %mul3A_0 = arith.muli %arg1, %mul3A : i32
    %add3A = arith.addi %mul3A_0, %arg0 : i32
    %c0_i32 = arith.constant 0 : i32
    %c0_i32_1 = arith.constant 0 : i32
    %c0_i32_2 = arith.constant 0 : i32
    return %add3A, %c0_i32, %c0_i32_1 : i32, i32, i32
  }
  func.func @transform_5(%arg0: i32, %arg1: i32) -> (i32, i32, i32) {
    %mul3A = arith.constant 2 : i32
    %mul3A_0 = arith.muli %arg1, %mul3A : i32
    %add3A = arith.addi %mul3A_0, %arg0 : i32
    %c0_i32 = arith.constant 0 : i32
    %c0_i32_1 = arith.constant 0 : i32
    %c0_i32_2 = arith.constant 0 : i32
    return %add3A, %c0_i32, %c0_i32_1 : i32, i32, i32
  }
}

</mosaic_0001>

<sc_bundles>
// kernel: _run.5.cloned.1.call-start
scs
__scs_entry_jumppad:
0x0: {  	(pc) =	sbr.rel $0x88, $3  }
0x1: {  	(tag) =	ssettag $0x0;
	lr =	simm.s32 $0x1  }
0x2: {  	[smem:$0x3F97] =	sst lr;
	_ =	strace $0xD0000000  }
0x3: {  	_ = 	snop  }
0x4: {  	_ = 	snop  }
0x5: {  	_ = 	snop  }
0x6: {  	_ = 	snop  }
0x7: {  	_ = 	snop  }
__scs_overlays_trampoline_lowered:
0x8: {  	[smem:$0x3FA6] =	sst s0  }
0x9: {  	[smem:$0x3FA7] =	sst s1  }
0xa: {  	[smem:$0x3FA8] =	sst s2  }
0xb: {  	[smem:$0x3FA9] =	sst s3  }
0xc: {  	[smem:$0x3FAA] =	sst s4  }
0xd: {  	[smem:$0x3FAB] =	sst s5  }
0xe: {  	[smem:$0x3FAC] =	sst s6  }
0xf: {  	[smem:$0x3FAD] =	sst s7  }
0x10: {  	[smem:$0x3FAE] =	sst s8  }
0x11: {  	[smem:$0x3FAF] =	sst s9;
	s0 =	simm.s32 @!p0 $0x0  }
0x12: {  	s1 =	sld [smem:$0x3F95];
	s0 =	simm.s32 @p0 $0x1  }
0x13: {  	[smem:$0x3FB0] =	sst s0;
	s0 =	simm.s32 @!p1 $0x0  }
0x14: {  	s2 =	sld [smem:$0x3F94];
	s0 =	simm.s32 @p1 $0x1  }
0x15: {  	[smem:$0x3FB1] =	sst s0;
	s0 =	simm.s32 @!p2 $0x0  }
0x16: {  	s3 =	sld [smem:$0x3FDB];
	s0 =	simm.s32 @p2 $0x1  }
0x17: {  	s4 =	simm.s32 $0x1BF5;
	[smem:$0x3FB3] =	sst s0  }
0x18: {  	s0 =	sld [smem:$0x3F96];
	_ =	swait.ge [sflag:s4], $0x0  }
0x19: {  	s7 =	sld [smem:$0x3F97]  }
0x1a: {  	s8 =	sadd.s32 $0xFFFFE003, lr  }
0x1b: {  	s9 =	sadd.s32 $0xFFFFFEF7, lr;
	s5 =	simm.s32 $0xFFFFFFFF;
	p2 =	slt.u32 s8, $0xFFFFF086  }
0x1c: {  	p1 =	slt.u32 s9, $0xF7A;
	s5 =	simm.s32 @!p2 $0x0  }
0x1d: {  	s5 =	simm.s32 @p1 $0x1;
	p0 =	seq.s32 s7, s2  }
0x1e: {  	s7 =	smul.u32 @!p0 $0xF7A, s2;
	p2 =	seq.s32 @!p0 s5, $0x0  }
0x1f: {  	s9 =	smul.u32 $0xF7A, s1;
	s8 =	simm.s32 @!p0 $0x1BF5;
	p2 =	por !p2, p0  }
0x20: {  	[sflag:s8] =	ssyncset.s32 @!p0 $0xFFFFF086;
	s6 =	sadd.s32 @!p0 s3, s7;
	s7 =	simm.s32 @!p0 $0x108  }
0x21: {  	s3 =	sadd.s32 s3, s9;
	s6 =	sadd.s32 @!p0 $0x88, s6;
	s7 =	simm.s32 @p2 $0x1082  }
0x22: {  	[simem:s7], [sflag:s8] =	dma.local @!p0 [hbm:s6], $0xF7A  }
0x23: {  	s9 =	sor.u32 $0xD0000000, s2;
	s6 =	simm.s32 $0x108;
	_ =	swait.ge @!p0 [sflag:s8], $0x0  }
0x24: {  	s3 =	sadd.s32 $0x88, s3;
	s6 =	simm.s32 @!p1 $0x1082;
	[sflag:s4] =	ssyncset.s32 $0xFFFFF086  }
0x25: {  	[simem:s6], [sflag:s4] =	dma.local [hbm:s3], $0xF7A  }
0x26: {  	[smem:$0x3F97] =	sst s1;
	(tag) =	ssettag s2;
	_ =	strace s9  }
0x27: {  	s1 =	sld [smem:$0x3FA7]  }
0x28: {  	s2 =	sld [smem:$0x3FA8]  }
0x29: {  	s4 =	sld [smem:$0x3FAA]  }
0x2a: {  	p0 =	seq.s32 s5, $0x0;
	s5 =	sld [smem:$0x3FAB]  }
0x2b: {  	s6 =	sld [smem:$0x3FAC]  }
0x2c: {  	s7 =	sld [smem:$0x3FAD]  }
0x2d: {  	s3 =	simm.s32 $0x108;
	s8 =	sld [smem:$0x3FAE]  }
0x2e: {  	s3 =	simm.s32 @!p0 $0x1082;
	s9 =	sld [smem:$0x3FAF]  }
0x2f: {  	lr =	sadd.s32 s0, s3;
	s0 =	sld [smem:$0x3FA6]  }
0x30: {  	s3 =	sld [smem:$0x3FA9]  }
0x31: {  	[smem:$0x3FB2] =	sst s10  }
0x32: {  	s10 =	sld [smem:$0x3FB0];
	_ =	sdelay $0x3  }
0x33: {  	p0 =	seq.s32 s10, $0x1;
	s10 =	sld [smem:$0x3FB2];
	_ =	sdelay $0x3  }
0x34: {  	[smem:$0x3FB2] =	sst s10  }
0x35: {  	s10 =	sld [smem:$0x3FB1];
	_ =	sdelay $0x3  }
0x36: {  	p1 =	seq.s32 s10, $0x1;
	s10 =	sld [smem:$0x3FB2];
	_ =	sdelay $0x3  }
0x37: {  	[smem:$0x3FB2] =	sst s10  }
0x38: {  	s10 =	sld [smem:$0x3FB3]  }
0x39: {  	_ = 	snop;
	(pc) =	sbr.ind lr, $3  }
0x3a: {  	_ = 	snop  }
0x3b: {  	_ = 	snop  }
0x3c: {  	p2 =	seq.s32 s10, $0x1;
	s10 =	sld [smem:$0x3FB2]  }
0x3d: {  	_ =	shalt  }
0x3e: {  	_ =	shalt  }
0x3f: {  	_ =	shalt  }
0x40: {  	_ =	shalt  }
0x41: {  	_ =	shalt  }
0x42: {  	_ =	shalt  }
0x43: {  	_ =	shalt  }
0x44: {  	_ =	shalt  }
0x45: {  	_ =	shalt  }
0x46: {  	_ =	shalt  }
0x47: {  	_ =	shalt  }
0x48: {  	_ =	shalt  }
0x49: {  	_ =	shalt  }
0x4a: {  	_ =	shalt  }
0x4b: {  	_ =	shalt  }
0x4c: {  	_ =	shalt  }
0x4d: {  	_ =	shalt  }
0x4e: {  	_ =	shalt  }
0x4f: {  	_ =	shalt  }
0x50: {  	_ =	shalt  }
0x51: {  	_ =	shalt  }
0x52: {  	_ =	shalt  }
0x53: {  	_ =	shalt  }
0x54: {  	_ =	shalt  }
0x55: {  	_ =	shalt  }
0x56: {  	_ =	shalt  }
0x57: {  	_ =	shalt  }
0x58: {  	_ =	shalt  }
0x59: {  	_ =	shalt  }
0x5a: {  	_ =	shalt  }
0x5b: {  	_ =	shalt  }
0x5c: {  	_ =	shalt  }
0x5d: {  	_ =	shalt  }
0x5e: {  	_ =	shalt  }
0x5f: {  	_ =	shalt  }
0x60: {  	_ =	shalt  }
0x61: {  	_ =	shalt  }
0x62: {  	_ =	shalt  }
0x63: {  	_ =	shalt  }
0x64: {  	_ =	shalt  }
0x65: {  	_ =	shalt  }
0x66: {  	_ =	shalt  }
0x67: {  	_ =	shalt  }
0x68: {  	_ =	shalt  }
0x69: {  	_ =	shalt  }
0x6a: {  	_ =	shalt  }
0x6b: {  	_ =	shalt  }
0x6c: {  	_ =	shalt  }
0x6d: {  	_ =	shalt  }
0x6e: {  	_ =	shalt  }
0x6f: {  	_ =	shalt  }
0x70: {  	_ =	shalt  }
0x71: {  	_ =	shalt  }
0x72: {  	_ =	shalt  }
0x73: {  	_ =	shalt  }
0x74: {  	_ =	shalt  }
0x75: {  	_ =	shalt  }
0x76: {  	_ =	shalt  }
0x77: {  	_ =	shalt  }
0x78: {  	_ =	shalt  }
0x79: {  	_ =	shalt  }
0x7a: {  	_ =	shalt  }
0x7b: {  	_ =	shalt  }
0x7c: {  	_ =	shalt  }
0x7d: {  	_ =	shalt  }
0x7e: {  	_ =	shalt  }
0x7f: {  	_ =	shalt  }
0x80: {  	_ =	shalt  }
0x81: {  	_ =	shalt  }
0x82: {  	_ =	shalt  }
0x83: {  	_ =	shalt  }
0x84: {  	_ =	shalt  }
0x85: {  	_ =	shalt  }
0x86: {  	_ =	shalt  }
0x87: {  	_ =	shalt  }
.Lfunc_end0:
.L_simem_size_0:
called_computation_lowered:
.L_overlay_start_0:
0x88: {  	s2 =	sld [smem:$0x3FD9]  }
0x89: {  	s3 =	sld [smem:$0x3FFE];
	_ =	sdelay $0x1  }
0x8a: {  	s1 =	srdreg.scid  }
0x8b: {  	s0 =	sand.u32 $0x1, s1  }
0x8c: {  	s14 =	sshll.u32 s0, $0xA;
	s2 =	sadd.s32 s3, s2  }
0x8d: {  	s2 =	sadd.s32 s2, s14  }
0x8e: {  	[smem:$0x3FBE] =	sst s2  }
0x8f: {  	_ = 	snop  }
0x90: {  	s2 =	sld [smem:$0x3FD0];
	_ =	sdelay $0x2  }
0x91: {  	s15 =	simm.s32 $0xA;
	s4 =	simm.s32 $0x10  }
0x92: {  	[smem:s4], [sflag:s15] =	dma.local [hbm:s2], $0x1  }
0x93: {  	_ =	swait.eq [sflag:s15], $0x1  }
0x94: {  	[sflag:s15] =	ssyncset.done $0x0  }
0x95: {  	s16 =	sld [smem:$0x10];
	[sflag:s15] =	ssyncadd.s32 $0xFFFFFFFF  }
0x96: {  	s17 =	sld [smem:$0x11];
	(tm) =	ssettm $0x1  }
0x97: {  	s18 =	sld [smem:$0x3FFB];
	_ =	sdelay $0x3  }
0x98: {  	_ =	strace s18  }
0x99: {  	s4 =	sld [smem:$0x3FFC];
	_ =	sdelay $0x3  }
0x9a: {  	_ =	strace s4  }
0x9b: {  	s4 =	sld [smem:$0x3FFD];
	_ =	sdelay $0x3  }
0x9c: {  	_ =	strace s4  }
0x9d: {  	_ =	strace $0x8FFFFFFF  }
0x9e: {  	s19 =	sld [smem:$0x3FDB];
	_ =	sdelay $0x1  }
0x9f: {  	s5 =	simm.s32 $_scs_section_size  }
0xa0: {  	s6 =	simm.s32 $_size__tile_overlayer_lowered;
	s7 =	simm.s32 $_tile_overlayer_lowered  }
0xa1: {  	s22 =	simm.s32 $0x1BFF;
	s21 =	sshll.u32 s7, $0x1;
	s4 =	sadd.s32 s5, s19  }
0xa2: {  	s8 =	simm.s32 $0x0;
	s20 =	sshll.u32 s6, $0x1;
	s6 =	sadd.s32 s21, s4  }
0xa3: {  	[timem:s8], [sflag:s22] =	dma.local [hbm:s6], s20  }
0xa4: {  	_ =	swait.ge [sflag:s22], s20  }
0xa5: {  	s5 =	ssub.s32 $0x0, s20;
	[sflag:s22] =	ssyncset.done $0x0  }
0xa6: {  	[sflag:s22] =	ssyncadd.s32 s5;
	_ =	sdelay $0x1  }
0xa7: {  	s23 =	simm.s32 $0x1B8B  }
0xa8: {  	_ =	swait.ge [sflag:s23], $0x1  }
0xa9: {  	[sflag:s23] =	ssyncset.done $0x0  }
0xaa: {  	s25 =	simm.s32 $0x1B8E;
	s24 =	sld [smem:$0x3FFE];
	[sflag:s23] =	ssyncadd.s32 $0xFFFFFFFF  }
0xab: {  	s26 =	simm.s32 $execute0_lowered;
	[smem:$0x3FD2] =	sst s25  }
0xac: {  	s6 =	sshll.u32 s26, $0x1;
	_ =	strace $0x80000046;
	[dreg:$0x1] =	wrdreg $0xFFFFFFFF  }
0xad: {  	s28 =	simm.s32 $_size_execute0_lowered;
	s4 =	sadd.s32 s4, s6;
	[dreg:$0x0] =	wrdreg $0x0  }
0xae: {  	s6 =	sshll.u32 s28, $0x1;
	[dreg:$0x2] =	wrdreg s4  }
0xaf: {  	[dreg:$0x3] =	wrdreg s6  }
0xb0: {  	[dreg:$0x4] =	wrdreg $0xC0  }
0xb1: {  	_ =	task [dreg:s8], $0x5FFFF  }
0xb2: {  	[dreg:$0x1] =	wrdreg $0xFFFFFFFF  }
0xb3: {  	[dreg:$0x0] =	wrdreg $0x60  }
0xb4: {  	[dreg:$0x2] =	wrdreg s17  }
0xb5: {  	[dreg:$0x3] =	wrdreg s16  }
0xb6: {  	[dreg:$0x4] =	wrdreg s24  }
0xb7: {  	[dreg:$0x5] =	wrdreg $0x9  }
0xb8: {  	_ =	task.clear_ibuf [dreg:s8], $0x6FFFF;
	_ =	strace $0x90000046  }
0xb9: {  	s29 =	simm.s32 $0x9;
	_ =	strace $0x80000048  }
0xba: {  	_ =	swait.ge [sflag:s29], $0x1  }
0xbb: {  	[sflag:s29] =	ssyncadd.s32 $0xFFFFFFFF  }
0xbc: {  	_ =	strace $0x90000048  }
0xbd: {  	_ =	sfence  }
0xbe: {  	s30 =	sld [smem:$0x0];
	_ =	sdelay $0x2  }
0xbf: {  	s31 =	sshll.u32 s1, $0xD;
	s1 =	sshrl.u32 s1, $0x2  }
0xc0: {  	s3 =	sand.u32 $0x4000, s31;
	s1 =	sadd.s32 s1, s30  }
0xc1: {  	s0 =	sor.u32 s3, s0;
	s1 =	sshll.u32 s1, $0x11  }
0xc2: {  	s0 =	sor.u32 s1, s0  }
0xc3: {  	s0 =	sadd.s32 $0x8F2B, s0  }
0xc4: {  	[sflag:s0] =	ssyncadd.remote.s32 $0x1  }
0xc5: {  	_ =	sfence.sel $0xFFFF  }
0xc6: {  	[dreg:$0x0] =	wrdreg $0xFFFFFFFF;
	(pc) =	sbr.abs _section_cstart, $3  }
0xc7: {  	[dreg:$0x1] =	wrdreg $0xFFFFFFFF  }
0xc8: {  	_ =	task.clear_ibuf [dreg:s8], $0x2FFFF;
	_ =	strace $0x9FFFFFFF  }
0xc9: {  	(tm) =	ssettm $0x7FFFFFFF  }
tec
execute0_lowered:
.L_overlay_start_1:
0x0: {  	(tag) =	ssettag $0x1  }
0x1: {  	s1 =	rddreg [dreg:$0x0]  }
0x2: {  	s3 =	rddreg [dreg:$0x1];
	s2 =	srdreg.scid  }
0x3: {  	s0 =	stileid.u32;
	s5 =	rddreg [dreg:$0x2]  }
0x4: {  	s4 =	simm.s32 $0x0;
	s13 =	simm.s32 $0x2;
	s14 =	simm.s32 $0x2100  }
0x5: {  	s15 =	simm.s32 $0x2900;
	s16 =	simm.s32 $0x3100;
	s17 =	simm.s32 $0x3900  }
0x6: {  	s18 =	simm.s32 $0x4100;
	s19 =	simm.s32 $0x4900;
	s20 =	simm.s32 $0x1  }
0x7: {  	s6 =	sand.u32 $0x1, s2;
	s7 =	sshll.u32 s0, $0x1;
	s2 =	rddreg [dreg:$0x3]  }
0x8: {  	[smem:$0x7FF] =	sst s4;
	s10 =	sadd.s32 $0x2600, s5;
	p0 =	sgt.u32 s0, $0xB  }
0x9: {  	s7 =	sor.u32 s6, s7;
	_ =	strace $0x80000047;
	s6 =	ssub.s32 $0x2, s6  }
0xa: {  	s8 =	smul.u32 $0x3, s7;
	s9 =	sshll.u32 s7, $0x1;
	s31 =	sshrl.u32 s6, $0x1  }
0xb: {  	s11 =	smul.u32 $0x3000, s7;
	s7 =	sshll.u32 s7, $0xA;
	s9 =	sadd.s32 s9, s5  }
0xc: {  	s12 =	ssub.s32 s6, s31;
	s6 =	sadd.s32 $0x100, s1;
	s7 =	sadd.s32 s10, s7  }
0xd: {  	v2 =	vlaneseq.u32;
	s8 =	sadd.s32 s8, s5;
	s5 =	sadd.s32 $0x2400, s9;
	s11 =	sshrl.u32 s11, $0x3  }
0xe: {  	vm1 =	vmmov $0xffff;
	v0 =	vand.u32 $0x7, v2;
	v1 =	vshrl.u32 v2, $0x3;
	s9 =	sadd.s32 $0x100, s3;
	s8 =	sadd.s32 $0x2200, s8;
	s10 =	sadd.s32 s10, s11  }
0xf: {  	v2 =	vor.u32 $0x8, v2;
	vm0 =	vmmov @!p0 $0xffff;
	v1 =	vmul.u32 $0x8, v1;
	s11 =	smax.u32 s12, $0x1;
	s12 =	simm.s32 $0x80;
	s10 =	sadd.s32 $0x6000, s10  }
.LBB2_1:
0x10: {  	s21 =	simm.s32 @!p0 $0x0;
	s22 =	simm.s32 @!p0 $0x2  }
0x11: {  	[tilespmem:s21], [sflag:$0x2] =	stream.linear.gather @!p0 [hbm4b:s5+s21], $0x10, $0x38;
	[tilespmem:$0x5100] =	vst v63  }
0x12: {  	_ =	swait.ge @!p0 [sflag:s22], $0x10  }
0x13: {  	[sflag:s22] =	ssyncset.done @!p0 $0x0  }
0x14: {  	[sflag:s22] =	ssyncadd.s32 @!p0 $0xFFFFFFF0  }
0x15: {  	v3 =	vld @!p0 [tilespmem:$0x0];
	_ =	sdelay $0x4  }
0x16: {  	v4 =	vshll.u32 @!p0 v3, $0x2  }
0x17: {  	v5 =	vlaneseq.u32 @!p0;
	v3 =	vand.u32 @!p0 $0x7, v3;
	v4 =	vand.u32 @!p0 $0xFFFFFFE0, v4  }
0x18: {  	v6 =	vshrl.u32 @!p0 v5, $0x3;
	v3 =	vor.u32 @!p0 v3, v4;
	v4 =	vand.u32 @!p0 $0x7, v5  }
0x19: {  	v6 =	vmul.u32 @!p0 $0x8, v6;
	v4 =	vperm.xlane @!p0 v3, v4;
	_ =	sdelay $0x1  }
0x1a: {  	v4 =	vadd.s32 @!p0 v6, v4  }
0x1b: {  	v5 =	vor.u32 @!p0 $0x8, v5  }
0x1c: {  	v3 =	vperm.xlane @!p0 v3, v5;
	_ =	sdelay $0x1  }
0x1d: {  	s23 =	simm.s32 @!p0 $0x100;
	v3 =	vadd.s32 @!p0 v6, v3  }
0x1e: {  	[tilespmem:s23], [sflag:$0x1] =	stream.indirect_vreg.gather @!p0 [hbm4b:s1+s21], $0x80, v4, vm0, $0xb8;
	[tilespmem:$0x5100] =	vst v63  }
0x1f: {  	s24 =	simm.s32 @!p0 $0x900  }
0x20: {  	[tilespmem:s24], [sflag:$0x1] =	stream.indirect_vreg.gather @!p0 [hbm4b:s6+s21], $0x80, v4, vm0, $0xb8;
	[tilespmem:$0x5100] =	vst v63  }
0x21: {  	s24 =	simm.s32 @!p0 $0x1100  }
0x22: {  	[tilespmem:s24], [sflag:$0x1] =	stream.indirect_vreg.gather @!p0 [hbm4b:s1+s21], $0x80, v3, vm0, $0xb8;
	[tilespmem:$0x5100] =	vst v63  }
0x23: {  	s24 =	simm.s32 @!p0 $0x1900  }
0x24: {  	[tilespmem:s24], [sflag:$0x1] =	stream.indirect_vreg.gather @!p0 [hbm4b:s6+s21], $0x80, v3, vm0, $0xb8;
	[tilespmem:$0x5100] =	vst v63  }
0x25: {  	s24 =	simm.s32 @!p0 $0x1  }
0x26: {  	_ =	swait.ge @!p0 [sflag:s24], $0x2000  }
0x27: {  	[sflag:s24] =	ssyncset.done @!p0 $0x0  }
0x28: {  	[sflag:s24] =	ssyncadd.s32 @!p0 $0xFFFFE000  }
0x29: {  	[hbm4b:s7+s21] =	stream.linear.scatter @!p0 [tilespmem:s23], [sflag:$0x2], $0x2000, $0x38;
	[tilespmem:$0x5100] =	vst v63  }
0x2a: {  	_ =	swait.ge @!p0 [sflag:s22], $0x2000  }
0x2b: {  	[sflag:s22] =	ssyncset.done @!p0 $0x0  }
0x2c: {  	[sflag:s22] =	ssyncadd.s32 @!p0 $0xFFFFE000  }
0x2d: {  	[tilespmem:s12], [sflag:$0x2] =	stream.linear.gather [hbm4b:s8+s4], $0x18, $0x38;
	[tilespmem:$0x5100] =	vst v63  }
0x2e: {  	_ =	swait.ge [sflag:s13], $0x18  }
0x2f: {  	[sflag:s13] =	ssyncset.done $0x0  }
0x30: {  	[sflag:s13] =	ssyncadd.s32 $0xFFFFFFE8  }
0x31: {  	v3 =	vld [tilespmem:$0x80];
	_ =	sdelay $0x4  }
0x32: {  	v62 =	vshll.u32 v3, $0x2  }
0x33: {  	v3 =	vand.u32 $0x7, v3;
	v4 =	vand.u32 $0xFFFFFFE0, v62  }
0x34: {  	v3 =	vor.u32 v3, v4  }
0x35: {  	v4 =	vperm.xlane v3, v0;
	_ =	sdelay $0x1  }
0x36: {  	v4 =	vadd.s32 v1, v4;
	_ =	sdelay $0x1  }
0x37: {  	v3 =	vperm.xlane v3, v2;
	_ =	sdelay $0x1  }
0x38: {  	v3 =	vadd.s32 v1, v3  }
0x39: {  	[tilespmem:s14], [sflag:$0x1] =	stream.indirect_vreg.gather [hbm4b:s3+s4], $0x80, v4, vm1, $0xb8;
	[tilespmem:$0x5100] =	vst v63  }
0x3a: {  	_ = 	snop  }
0x3b: {  	[tilespmem:s15], [sflag:$0x1] =	stream.indirect_vreg.gather [hbm4b:s9+s4], $0x80, v4, vm1, $0xb8;
	[tilespmem:$0x5100] =	vst v63  }
0x3c: {  	_ = 	snop  }
0x3d: {  	[tilespmem:s16], [sflag:$0x1] =	stream.indirect_vreg.gather [hbm4b:s3+s4], $0x80, v3, vm1, $0xb8;
	[tilespmem:$0x5100] =	vst v63  }
0x3e: {  	_ = 	snop  }
0x3f: {  	[tilespmem:s17], [sflag:$0x1] =	stream.indirect_vreg.gather [hbm4b:s9+s4], $0x80, v3, vm1, $0xb8;
	[tilespmem:$0x5100] =	vst v63  }
0x40: {  	v3 =	vld.msk [tilespmem:$0x90], $0xff;
	_ =	sdelay $0x4  }
0x41: {  	v63 =	vshll.u32 v3, $0x2  }
0x42: {  	v3 =	vand.u32 $0x7, v3;
	v4 =	vand.u32 $0xFFFFFFE0, v63  }
0x43: {  	v3 =	vor.u32 v3, v4  }
0x44: {  	v3 =	vperm.xlane v3, v0;
	_ =	sdelay $0x1  }
0x45: {  	v3 =	vadd.s32 v1, v3;
	_ =	sdelay $0x4  }
0x46: {  	[tilespmem:s18], [sflag:$0x1] =	stream.indirect_vreg.gather [hbm4b:s3+s4], $0x80, v3, vm1, $0xb8;
	[tilespmem:$0x5100] =	vst v63  }
0x47: {  	_ = 	snop  }
0x48: {  	[tilespmem:s19], [sflag:$0x1] =	stream.indirect_vreg.gather [hbm4b:s9+s4], $0x80, v3, vm1, $0xb8;
	[tilespmem:$0x5100] =	vst v63  }
0x49: {  	s11 =	sadd.s32 $0xFFFFFFFF, s11;
	_ =	swait.ge [sflag:s20], $0x3000  }
0x4a: {  	p1 =	sne.s32 s11, $0x0;
	[sflag:s20] =	ssyncset.done $0x0  }
.Ltmp0:
0x4b: {  	[sflag:s20] =	ssyncadd.s32 $0xFFFFD000;
	(pc) =	sbr.rel @p1 .LBB2_1-.Ltmp0, $4  }
0x4c: {  	[hbm4b:s10+s4] =	stream.linear.scatter [tilespmem:s14], [sflag:$0x2], $0x3000, $0x38;
	[tilespmem:$0x5100] =	vst v63  }
0x4d: {  	_ =	swait.ge [sflag:s13], $0x3000  }
0x4e: {  	[sflag:s13] =	ssyncset.done $0x0  }
0x4f: {  	[sflag:s13] =	ssyncadd.s32 $0xFFFFD000  }
0x50: {  	_ =	sfence.sel $0x180000  }
0x51: {  	[bflag:$0x0] =	sbarrier.arrive $0xFFFF  }
0x52: {  	p0 =	sne.s32 s0, $0x0;
	_ =	strace $0x90000047  }
0x53: {  	s0 =	sadd.s32 @!p0 $0x100000, s2;
	[bflag:$0x2] =	sbarrier.arrive $0xFFFF  }
0x54: {  	[sflag:s0] =	ssyncadd.tile.s32 @!p0 $0x1;
	_ =	shalt  }
.Lfunc_end2:
_tile_overlayer_lowered:
.L_overlay_start_2:
0x55: {  	(tag) =	ssettag $0x2  }
0x56: {  	s0 =	rddreg [dreg:$0x0];
	s2 =	stileid.u32  }
0x57: {  	s1 =	rddreg [dreg:$0x1];
	p0 =	sne.s32 s2, $0x0  }
0x58: {  	s3 =	rddreg [dreg:$0x2];
	[bflag:$0x3] =	sbarrier.arrive $0xFFFF;
	s2 =	simm.s32 @!p0 $0x1C02  }
0x59: {  	[timem:s3], [sflag:s2] =	dma.local @!p0 [hbm:s0], s1  }
0x5a: {  	s0 =	simm.s32 @!p0 $0x2  }
0x5b: {  	_ =	swait.ge @!p0 [sflag:s0], s1  }
0x5c: {  	s1 =	ssub.s32 @!p0 $0x0, s1;
	[sflag:s0] =	ssyncset.done @!p0 $0x0  }
0x5d: {  	[sflag:s0] =	ssyncadd.s32 @!p0 s1  }
0x5e: {  	[bflag:$0x3] =	sbarrier.arrive $0xFFFF  }
0x5f: {  	_ =	shalt  }

</sc_bundles>
